<compile_context>
chip_gen: v7x
topology: tpu7x:2x2x1
jax: 0.10.2.dev20260603
libtpu: 0.0.44.dev20260713+nightly
codegen_flags: <defaults>
</compile_context>

<pallas_src>
import functools

import jax
import jax.numpy as jnp
from jax import lax
from jax.experimental import pallas as pl
from jax.experimental.pallas import tpu as pltpu
from jax.experimental.pallas import tpu_sc as plsc

DEPTH = 32
B = 4
H = 512
W = 512
NW = 32
CHUNK = B * H * W // NW
HALF = CHUNK // 2
LANES = 16
UNROLL = 4
HB = 128


def _shift_half(x_v, xoff, buf):
    one = jnp.int32(1)

    def body(j, _):
        base = j * (LANES * UNROLL)
        for u in range(UNROLL):
            off = base + u * LANES
            x = x_v[pl.ds(xoff + off, LANES)]
            buf[pl.ds(off, LANES)] = one << x
        return 0

    lax.fori_loop(0, HALF // (LANES * UNROLL), body, 0, unroll=False)


def _sc_encode(x_hbm, mask_hbm, x_v, buf0, buf1, sem0, sem1, semi0, semi1):
    nc = 2
    wid = lax.axis_index("s") * nc + lax.axis_index("c")

    in0 = pltpu.make_async_copy(x_hbm.at[wid, 0], x_v.at[pl.ds(0, HALF)], semi0)
    in1 = pltpu.make_async_copy(
        x_hbm.at[wid, 1], x_v.at[pl.ds(HALF, HALF)], semi1)
    in0.start()
    in1.start()

    in0.wait()
    _shift_half(x_v, 0, buf0)
    out0 = pltpu.make_async_copy(buf0, mask_hbm.at[wid, 0], sem0)
    out0.start()

    in1.wait()
    _shift_half(x_v, HALF, buf1)
    out1 = pltpu.make_async_copy(buf1, mask_hbm.at[wid, 1], sem1)
    out1.start()

    out0.wait()
    out1.wait()


def _tc_expand(mask_ref, out_ref):
    m = mask_ref[...]
    d = jax.lax.broadcasted_iota(jnp.int32, (1, DEPTH, HB, W), 1)
    bit = jax.lax.shift_right_logical(m, d) & jnp.int32(1)
    out_ref[...] = bit.astype(jnp.float32)


def kernel(rank, X_in, ones):
    x = X_in.reshape(NW, 2, HALF)
    mesh = plsc.VectorSubcoreMesh(core_axis_name="c", subcore_axis_name="s")
    encode = functools.partial(
        pl.kernel,
        mesh=mesh,
        out_type=jax.ShapeDtypeStruct((NW, 2, HALF), jnp.int32),
        scratch_types=[
            pltpu.VMEM((CHUNK,), jnp.int32),
            pltpu.VMEM((HALF,), jnp.int32),
            pltpu.VMEM((HALF,), jnp.int32),
            pltpu.SemaphoreType.DMA,
            pltpu.SemaphoreType.DMA,
            pltpu.SemaphoreType.DMA,
            pltpu.SemaphoreType.DMA,
        ],
    )(_sc_encode)
    mask = encode(x).reshape(B, 1, H, W)

    out = pl.pallas_call(
        _tc_expand,
        grid=(B, H // HB),
        in_specs=[pl.BlockSpec((1, 1, HB, W), lambda b, h: (b, 0, h, 0))],
        out_specs=pl.BlockSpec((1, DEPTH, HB, W), lambda b, h: (b, 0, h, 0)),
        out_shape=jax.ShapeDtypeStruct((B, DEPTH, H, W), jnp.float32),
    )(mask)
    return out

# --- scband reference (transcript-rebuilt; emitter-appended) ---
"""Pipeline reference for scband-one-hot-31172872634733 (READ-ONLY COPY).

The authoritative reference and input builder live on the scoring server;
editing this copy changes nothing except your own understanding.
"""

import jax, jax.numpy as jnp
import numpy as np

DEPTH = 32

def setup_inputs(seed: int = 0) -> dict:
    key = jax.random.key(seed)
    X_in = jax.random.randint(key, (4, 1, 512, 512), 0, DEPTH, dtype=jnp.int32)
    # 'learned' table: the module builds torch.eye(depth) in forward; materialize it here
    ones = jnp.eye(DEPTH, dtype=jnp.float32)
    # rank is the torch device id used in .to(rank); it does not affect math -> plain int
    return {"rank": 0, "X_in": X_in, "ones": ones}

def reference(rank, X_in, ones):
    n_dim = X_in.ndim
    num_element = X_in.size
    flat = X_in.reshape(num_element).astype(jnp.int32)
    out = jnp.take(ones, flat, axis=0)  # gather rows of identity -> one-hot
    out = out.reshape(tuple(X_in.shape) + (DEPTH,))
    perm = (0, n_dim) + tuple(range(1, n_dim))  # permute(0, -1, *range(1, n_dim))
    out = jnp.transpose(out, perm)
    out = jnp.squeeze(out, axis=2)  # squeeze(dim=2): the original channel dim of size 1
    return out.astype(jnp.float32)

if __name__ == "__main__":
    import jax
    _d = setup_inputs()
    print(jax.jit(kernel)(*tuple(_d.values())))

</pallas_src>

<mosaic_0001>
#map = affine_map<(d0, d1) -> (0, 0, 0)>
module attributes {stable_mosaic.version = 14 : i64} {
  func.func @_sc_encode(%arg0: i32, %arg1: i32, %arg2: memref<32x2x16384xi32, #tpu.memory_space<hbm>>, %arg3: memref<32x2x16384xi32, #tpu.memory_space<hbm>>, %arg4: memref<32768xi32, #tpu.memory_space<vmem>>, %arg5: memref<16384xi32, #tpu.memory_space<vmem>>, %arg6: memref<16384xi32, #tpu.memory_space<vmem>>, %arg7: memref<!tpu.dma_semaphore, #tpu.memory_space<semaphore_mem>>, %arg8: memref<!tpu.dma_semaphore, #tpu.memory_space<semaphore_mem>>, %arg9: memref<!tpu.dma_semaphore, #tpu.memory_space<semaphore_mem>>, %arg10: memref<!tpu.dma_semaphore, #tpu.memory_space<semaphore_mem>>) attributes {dimension_semantics = [#tpu.dimension_semantics<core_parallel>, #tpu.dimension_semantics<subcore_parallel>], iteration_bounds = array<i64: 2, 16>, scalar_prefetch = 0 : i64, scratch_operands = 7 : i64, tpu.core_type = #tpu.core_type<sc_vector_subcore>, window_params = [{transform_indices = #map}, {transform_indices = #map}]} {
    %mul3A = arith.constant 2 : i32
    %mul3A_0 = arith.muli %arg1, %mul3A : i32
    %add3A = arith.addi %mul3A_0, %arg0 : i32
    %dma_start3A = arith.constant 0 : i32
    %dma_start3A_1 = arith.constant 0 : i32
    %dma_start3A_2 = tpu.memref_slice %arg4[%dma_start3A_1] : memref<32768xi32, #tpu.memory_space<vmem>> -> memref<16384xi32, #tpu.memory_space<vmem>>
    %dma_start3A_3 = arith.constant 0 : i32
    %dma_start3A_4 = tpu.memref_slice %arg2[%add3A, %dma_start3A, %dma_start3A_3] : memref<32x2x16384xi32, #tpu.memory_space<hbm>> -> memref<1x1x16384xi32, #tpu.memory_space<hbm>>
    %dma_start3A_5 = tpu.memref_squeeze %dma_start3A_4 : memref<1x1x16384xi32, #tpu.memory_space<hbm>> -> memref<16384xi32, #tpu.memory_space<hbm>>
    %dma_start3A_6 = arith.constant 0 : i32
    %dma_start3A_7 = tpu.memref_slice %arg4[%dma_start3A_6] : memref<32768xi32, #tpu.memory_space<vmem>> -> memref<16384xi32, #tpu.memory_space<vmem>>
    %dma_start3A_8 = arith.constant 0 : i32
    %dma_start3A_9 = tpu.memref_slice %arg2[%add3A, %dma_start3A, %dma_start3A_8] : memref<32x2x16384xi32, #tpu.memory_space<hbm>> -> memref<1x1x16384xi32, #tpu.memory_space<hbm>>
    %dma_start3A_10 = tpu.memref_squeeze %dma_start3A_9 : memref<1x1x16384xi32, #tpu.memory_space<hbm>> -> memref<16384xi32, #tpu.memory_space<hbm>>
    tpu.enqueue_dma source(%dma_start3A_10 : memref<16384xi32, #tpu.memory_space<hbm>>) target(%dma_start3A_7 : memref<16384xi32, #tpu.memory_space<vmem>>) target_semaphore(%arg9 : memref<!tpu.dma_semaphore, #tpu.memory_space<semaphore_mem>>)
    %dma_start3A_11 = arith.constant 1 : i32
    %dma_start3A_12 = arith.constant 16384 : i32
    %dma_start3A_13 = tpu.memref_slice %arg4[%dma_start3A_12] : memref<32768xi32, #tpu.memory_space<vmem>> -> memref<16384xi32, #tpu.memory_space<vmem>>
    %dma_start3A_14 = arith.constant 0 : i32
    %dma_start3A_15 = tpu.memref_slice %arg2[%add3A, %dma_start3A_11, %dma_start3A_14] : memref<32x2x16384xi32, #tpu.memory_space<hbm>> -> memref<1x1x16384xi32, #tpu.memory_space<hbm>>
    %dma_start3A_16 = tpu.memref_squeeze %dma_start3A_15 : memref<1x1x16384xi32, #tpu.memory_space<hbm>> -> memref<16384xi32, #tpu.memory_space<hbm>>
    %dma_start3A_17 = arith.constant 16384 : i32
    %dma_start3A_18 = tpu.memref_slice %arg4[%dma_start3A_17] : memref<32768xi32, #tpu.memory_space<vmem>> -> memref<16384xi32, #tpu.memory_space<vmem>>
    %dma_start3A_19 = arith.constant 0 : i32
    %dma_start3A_20 = tpu.memref_slice %arg2[%add3A, %dma_start3A_11, %dma_start3A_19] : memref<32x2x16384xi32, #tpu.memory_space<hbm>> -> memref<1x1x16384xi32, #tpu.memory_space<hbm>>
    %dma_start3A_21 = tpu.memref_squeeze %dma_start3A_20 : memref<1x1x16384xi32, #tpu.memory_space<hbm>> -> memref<16384xi32, #tpu.memory_space<hbm>>
    tpu.enqueue_dma source(%dma_start3A_21 : memref<16384xi32, #tpu.memory_space<hbm>>) target(%dma_start3A_18 : memref<16384xi32, #tpu.memory_space<vmem>>) target_semaphore(%arg10 : memref<!tpu.dma_semaphore, #tpu.memory_space<semaphore_mem>>)
    %dma_wait3A = arith.constant 0 : i32
    %dma_wait3A_22 = arith.constant 0 : i32
    %dma_wait3A_23 = tpu.memref_slice %arg4[%dma_wait3A_22] : memref<32768xi32, #tpu.memory_space<vmem>> -> memref<16384xi32, #tpu.memory_space<vmem>>
    %dma_wait3A_24 = arith.constant 0 : i32
    %dma_wait3A_25 = tpu.memref_slice %arg2[%add3A, %dma_wait3A, %dma_wait3A_24] : memref<32x2x16384xi32, #tpu.memory_space<hbm>> -> memref<1x1x16384xi32, #tpu.memory_space<hbm>>
    %dma_wait3A_26 = tpu.memref_squeeze %dma_wait3A_25 : memref<1x1x16384xi32, #tpu.memory_space<hbm>> -> memref<16384xi32, #tpu.memory_space<hbm>>
    %dma_wait3A_27 = arith.constant 0 : i32
    %dma_wait3A_28 = tpu.memref_slice %arg4[%dma_wait3A_27] : memref<32768xi32, #tpu.memory_space<vmem>> -> memref<16384xi32, #tpu.memory_space<vmem>>
    %dma_wait3A_29 = arith.constant 0 : i32
    %dma_wait3A_30 = tpu.memref_slice %arg2[%add3A, %dma_wait3A, %dma_wait3A_29] : memref<32x2x16384xi32, #tpu.memory_space<hbm>> -> memref<1x1x16384xi32, #tpu.memory_space<hbm>>
    %dma_wait3A_31 = tpu.memref_squeeze %dma_wait3A_30 : memref<1x1x16384xi32, #tpu.memory_space<hbm>> -> memref<16384xi32, #tpu.memory_space<hbm>>
    tpu.wait_dma2 semaphore(%arg9 : memref<!tpu.dma_semaphore, #tpu.memory_space<semaphore_mem>>) src(%dma_wait3A_31 : memref<16384xi32, #tpu.memory_space<hbm>>) dst(%dma_wait3A_28 : memref<16384xi32, #tpu.memory_space<vmem>>)
    %scan3A = arith.constant 1 : i32
    %scan3A_32 = arith.constant 0 : i32
    %scan3A_33 = arith.constant 0 : i32
    %scan3A_34 = arith.constant 256 : i32
    %scan3A_35 = arith.addi %scan3A_33, %scan3A_34 : i32
    %scan3A_36 = arith.constant 1 : i32
    %scan3A_37 = scf.for %scan3A_86 = %scan3A_33 to %scan3A_35 step %scan3A_36 iter_args(%scan3A_87 = %scan3A_32) -> (i32)  : i32 {
      %mul3A_88 = arith.constant 64 : i32
      %mul3A_89 = arith.muli %scan3A_86, %mul3A_88 : i32
      %add3A_90 = arith.constant 0 : i32
      %add3A_91 = arith.addi %mul3A_89, %add3A_90 : i32
      %add3A_92 = arith.constant 0 : i32
      %add3A_93 = arith.addi %add3A_92, %add3A_91 : i32
      %get3A = arith.index_cast %add3A_93 : i32 to index
      %get3A_94 = tpu.vector_load %arg4[%get3A] {strides = array<i32>} : memref<32768xi32, #tpu.memory_space<vmem>>, vector<16xi32>,
      %get3A_95 = vector.shape_cast %get3A_94 : vector<16xi32> to vector<16xi32>
      %shift_left3A = vector.broadcast %scan3A : i32 to vector<16xi32>
      %shift_left3A_96 = arith.shli %shift_left3A, %get3A_95 : vector<16xi32>
      %swap3A = arith.index_cast %add3A_91 : i32 to index
      %swap3A_97 = tpu.vector_load %arg5[%swap3A] {strides = array<i32>} : memref<16384xi32, #tpu.memory_space<vmem>>, vector<16xi32>,
      %swap3A_98 = vector.shape_cast %swap3A_97 : vector<16xi32> to vector<16xi32>
      %swap3A_99 = vector.shape_cast %shift_left3A_96 : vector<16xi32> to vector<16xi32>
      tpu.vector_store %arg5[%swap3A], %swap3A_99 {strides = array<i32>} : memref<16384xi32, #tpu.memory_space<vmem>>, vector<16xi32>,
      %add3A_100 = arith.constant 16 : i32
      %add3A_101 = arith.addi %mul3A_89, %add3A_100 : i32
      %add3A_102 = arith.constant 0 : i32
      %add3A_103 = arith.addi %add3A_102, %add3A_101 : i32
      %get3A_104 = arith.index_cast %add3A_103 : i32 to index
      %get3A_105 = tpu.vector_load %arg4[%get3A_104] {strides = array<i32>} : memref<32768xi32, #tpu.memory_space<vmem>>, vector<16xi32>,
      %get3A_106 = vector.shape_cast %get3A_105 : vector<16xi32> to vector<16xi32>
      %shift_left3A_107 = vector.broadcast %scan3A : i32 to vector<16xi32>
      %shift_left3A_108 = arith.shli %shift_left3A_107, %get3A_106 : vector<16xi32>
      %swap3A_109 = arith.index_cast %add3A_101 : i32 to index
      %swap3A_110 = tpu.vector_load %arg5[%swap3A_109] {strides = array<i32>} : memref<16384xi32, #tpu.memory_space<vmem>>, vector<16xi32>,
      %swap3A_111 = vector.shape_cast %swap3A_110 : vector<16xi32> to vector<16xi32>
      %swap3A_112 = vector.shape_cast %shift_left3A_108 : vector<16xi32> to vector<16xi32>
      tpu.vector_store %arg5[%swap3A_109], %swap3A_112 {strides = array<i32>} : memref<16384xi32, #tpu.memory_space<vmem>>, vector<16xi32>,
      %add3A_113 = arith.constant 32 : i32
      %add3A_114 = arith.addi %mul3A_89, %add3A_113 : i32
      %add3A_115 = arith.constant 0 : i32
      %add3A_116 = arith.addi %add3A_115, %add3A_114 : i32
      %get3A_117 = arith.index_cast %add3A_116 : i32 to index
      %get3A_118 = tpu.vector_load %arg4[%get3A_117] {strides = array<i32>} : memref<32768xi32, #tpu.memory_space<vmem>>, vector<16xi32>,
      %get3A_119 = vector.shape_cast %get3A_118 : vector<16xi32> to vector<16xi32>
      %shift_left3A_120 = vector.broadcast %scan3A : i32 to vector<16xi32>
      %shift_left3A_121 = arith.shli %shift_left3A_120, %get3A_119 : vector<16xi32>
      %swap3A_122 = arith.index_cast %add3A_114 : i32 to index
      %swap3A_123 = tpu.vector_load %arg5[%swap3A_122] {strides = array<i32>} : memref<16384xi32, #tpu.memory_space<vmem>>, vector<16xi32>,
      %swap3A_124 = vector.shape_cast %swap3A_123 : vector<16xi32> to vector<16xi32>
      %swap3A_125 = vector.shape_cast %shift_left3A_121 : vector<16xi32> to vector<16xi32>
      tpu.vector_store %arg5[%swap3A_122], %swap3A_125 {strides = array<i32>} : memref<16384xi32, #tpu.memory_space<vmem>>, vector<16xi32>,
      %add3A_126 = arith.constant 48 : i32
      %add3A_127 = arith.addi %mul3A_89, %add3A_126 : i32
      %add3A_128 = arith.constant 0 : i32
      %add3A_129 = arith.addi %add3A_128, %add3A_127 : i32
      %get3A_130 = arith.index_cast %add3A_129 : i32 to index
      %get3A_131 = tpu.vector_load %arg4[%get3A_130] {strides = array<i32>} : memref<32768xi32, #tpu.memory_space<vmem>>, vector<16xi32>,
      %get3A_132 = vector.shape_cast %get3A_131 : vector<16xi32> to vector<16xi32>
      %shift_left3A_133 = vector.broadcast %scan3A : i32 to vector<16xi32>
      %shift_left3A_134 = arith.shli %shift_left3A_133, %get3A_132 : vector<16xi32>
      %swap3A_135 = arith.index_cast %add3A_127 : i32 to index
      %swap3A_136 = tpu.vector_load %arg5[%swap3A_135] {strides = array<i32>} : memref<16384xi32, #tpu.memory_space<vmem>>, vector<16xi32>,
      %swap3A_137 = vector.shape_cast %swap3A_136 : vector<16xi32> to vector<16xi32>
      %swap3A_138 = vector.shape_cast %shift_left3A_134 : vector<16xi32> to vector<16xi32>
      tpu.vector_store %arg5[%swap3A_135], %swap3A_138 {strides = array<i32>} : memref<16384xi32, #tpu.memory_space<vmem>>, vector<16xi32>,
      %scan3A_139 = arith.constant 0 : i32
      scf.yield %scan3A_139 : i32
    }
    %scan3A_38 = arith.constant 256 : i32
    %dma_start3A_39 = arith.constant 0 : i32
    %dma_start3A_40 = arith.constant 0 : i32
    %dma_start3A_41 = tpu.memref_slice %arg3[%add3A, %dma_start3A_39, %dma_start3A_40] : memref<32x2x16384xi32, #tpu.memory_space<hbm>> -> memref<1x1x16384xi32, #tpu.memory_space<hbm>>
    %dma_start3A_42 = tpu.memref_squeeze %dma_start3A_41 : memref<1x1x16384xi32, #tpu.memory_space<hbm>> -> memref<16384xi32, #tpu.memory_space<hbm>>
    %dma_start3A_43 = arith.constant 0 : i32
    %dma_start3A_44 = tpu.memref_slice %arg3[%add3A, %dma_start3A_39, %dma_start3A_43] : memref<32x2x16384xi32, #tpu.memory_space<hbm>> -> memref<1x1x16384xi32, #tpu.memory_space<hbm>>
    %dma_start3A_45 = tpu.memref_squeeze %dma_start3A_44 : memref<1x1x16384xi32, #tpu.memory_space<hbm>> -> memref<16384xi32, #tpu.memory_space<hbm>>
    tpu.enqueue_dma source(%arg5 : memref<16384xi32, #tpu.memory_space<vmem>>) target(%dma_start3A_45 : memref<16384xi32, #tpu.memory_space<hbm>>) target_semaphore(%arg7 : memref<!tpu.dma_semaphore, #tpu.memory_space<semaphore_mem>>)
    %dma_wait3A_46 = arith.constant 1 : i32
    %dma_wait3A_47 = arith.constant 16384 : i32
    %dma_wait3A_48 = tpu.memref_slice %arg4[%dma_wait3A_47] : memref<32768xi32, #tpu.memory_space<vmem>> -> memref<16384xi32, #tpu.memory_space<vmem>>
    %dma_wait3A_49 = arith.constant 0 : i32
    %dma_wait3A_50 = tpu.memref_slice %arg2[%add3A, %dma_wait3A_46, %dma_wait3A_49] : memref<32x2x16384xi32, #tpu.memory_space<hbm>> -> memref<1x1x16384xi32, #tpu.memory_space<hbm>>
    %dma_wait3A_51 = tpu.memref_squeeze %dma_wait3A_50 : memref<1x1x16384xi32, #tpu.memory_space<hbm>> -> memref<16384xi32, #tpu.memory_space<hbm>>
    %dma_wait3A_52 = arith.constant 16384 : i32
    %dma_wait3A_53 = tpu.memref_slice %arg4[%dma_wait3A_52] : memref<32768xi32, #tpu.memory_space<vmem>> -> memref<16384xi32, #tpu.memory_space<vmem>>
    %dma_wait3A_54 = arith.constant 0 : i32
    %dma_wait3A_55 = tpu.memref_slice %arg2[%add3A, %dma_wait3A_46, %dma_wait3A_54] : memref<32x2x16384xi32, #tpu.memory_space<hbm>> -> memref<1x1x16384xi32, #tpu.memory_space<hbm>>
    %dma_wait3A_56 = tpu.memref_squeeze %dma_wait3A_55 : memref<1x1x16384xi32, #tpu.memory_space<hbm>> -> memref<16384xi32, #tpu.memory_space<hbm>>
    tpu.wait_dma2 semaphore(%arg10 : memref<!tpu.dma_semaphore, #tpu.memory_space<semaphore_mem>>) src(%dma_wait3A_56 : memref<16384xi32, #tpu.memory_space<hbm>>) dst(%dma_wait3A_53 : memref<16384xi32, #tpu.memory_space<vmem>>)
    %scan3A_57 = arith.constant 1 : i32
    %scan3A_58 = arith.constant 0 : i32
    %scan3A_59 = arith.constant 0 : i32
    %scan3A_60 = arith.constant 256 : i32
    %scan3A_61 = arith.addi %scan3A_59, %scan3A_60 : i32
    %scan3A_62 = arith.constant 1 : i32
    %scan3A_63 = scf.for %scan3A_86 = %scan3A_59 to %scan3A_61 step %scan3A_62 iter_args(%scan3A_87 = %scan3A_58) -> (i32)  : i32 {
      %mul3A_88 = arith.constant 64 : i32
      %mul3A_89 = arith.muli %scan3A_86, %mul3A_88 : i32
      %add3A_90 = arith.constant 0 : i32
      %add3A_91 = arith.addi %mul3A_89, %add3A_90 : i32
      %add3A_92 = arith.constant 16384 : i32
      %add3A_93 = arith.addi %add3A_92, %add3A_91 : i32
      %get3A = arith.index_cast %add3A_93 : i32 to index
      %get3A_94 = tpu.vector_load %arg4[%get3A] {strides = array<i32>} : memref<32768xi32, #tpu.memory_space<vmem>>, vector<16xi32>,
      %get3A_95 = vector.shape_cast %get3A_94 : vector<16xi32> to vector<16xi32>
      %shift_left3A = vector.broadcast %scan3A_57 : i32 to vector<16xi32>
      %shift_left3A_96 = arith.shli %shift_left3A, %get3A_95 : vector<16xi32>
      %swap3A = arith.index_cast %add3A_91 : i32 to index
      %swap3A_97 = tpu.vector_load %arg6[%swap3A] {strides = array<i32>} : memref<16384xi32, #tpu.memory_space<vmem>>, vector<16xi32>,
      %swap3A_98 = vector.shape_cast %swap3A_97 : vector<16xi32> to vector<16xi32>
      %swap3A_99 = vector.shape_cast %shift_left3A_96 : vector<16xi32> to vector<16xi32>
      tpu.vector_store %arg6[%swap3A], %swap3A_99 {strides = array<i32>} : memref<16384xi32, #tpu.memory_space<vmem>>, vector<16xi32>,
      %add3A_100 = arith.constant 16 : i32
      %add3A_101 = arith.addi %mul3A_89, %add3A_100 : i32
      %add3A_102 = arith.constant 16384 : i32
      %add3A_103 = arith.addi %add3A_102, %add3A_101 : i32
      %get3A_104 = arith.index_cast %add3A_103 : i32 to index
      %get3A_105 = tpu.vector_load %arg4[%get3A_104] {strides = array<i32>} : memref<32768xi32, #tpu.memory_space<vmem>>, vector<16xi32>,
      %get3A_106 = vector.shape_cast %get3A_105 : vector<16xi32> to vector<16xi32>
      %shift_left3A_107 = vector.broadcast %scan3A_57 : i32 to vector<16xi32>
      %shift_left3A_108 = arith.shli %shift_left3A_107, %get3A_106 : vector<16xi32>
      %swap3A_109 = arith.index_cast %add3A_101 : i32 to index
      %swap3A_110 = tpu.vector_load %arg6[%swap3A_109] {strides = array<i32>} : memref<16384xi32, #tpu.memory_space<vmem>>, vector<16xi32>,
      %swap3A_111 = vector.shape_cast %swap3A_110 : vector<16xi32> to vector<16xi32>
      %swap3A_112 = vector.shape_cast %shift_left3A_108 : vector<16xi32> to vector<16xi32>
      tpu.vector_store %arg6[%swap3A_109], %swap3A_112 {strides = array<i32>} : memref<16384xi32, #tpu.memory_space<vmem>>, vector<16xi32>,
      %add3A_113 = arith.constant 32 : i32
      %add3A_114 = arith.addi %mul3A_89, %add3A_113 : i32
      %add3A_115 = arith.constant 16384 : i32
      %add3A_116 = arith.addi %add3A_115, %add3A_114 : i32
      %get3A_117 = arith.index_cast %add3A_116 : i32 to index
      %get3A_118 = tpu.vector_load %arg4[%get3A_117] {strides = array<i32>} : memref<32768xi32, #tpu.memory_space<vmem>>, vector<16xi32>,
      %get3A_119 = vector.shape_cast %get3A_118 : vector<16xi32> to vector<16xi32>
      %shift_left3A_120 = vector.broadcast %scan3A_57 : i32 to vector<16xi32>
      %shift_left3A_121 = arith.shli %shift_left3A_120, %get3A_119 : vector<16xi32>
      %swap3A_122 = arith.index_cast %add3A_114 : i32 to index
      %swap3A_123 = tpu.vector_load %arg6[%swap3A_122] {strides = array<i32>} : memref<16384xi32, #tpu.memory_space<vmem>>, vector<16xi32>,
      %swap3A_124 = vector.shape_cast %swap3A_123 : vector<16xi32> to vector<16xi32>
      %swap3A_125 = vector.shape_cast %shift_left3A_121 : vector<16xi32> to vector<16xi32>
      tpu.vector_store %arg6[%swap3A_122], %swap3A_125 {strides = array<i32>} : memref<16384xi32, #tpu.memory_space<vmem>>, vector<16xi32>,
      %add3A_126 = arith.constant 48 : i32
      %add3A_127 = arith.addi %mul3A_89, %add3A_126 : i32
      %add3A_128 = arith.constant 16384 : i32
      %add3A_129 = arith.addi %add3A_128, %add3A_127 : i32
      %get3A_130 = arith.index_cast %add3A_129 : i32 to index
      %get3A_131 = tpu.vector_load %arg4[%get3A_130] {strides = array<i32>} : memref<32768xi32, #tpu.memory_space<vmem>>, vector<16xi32>,
      %get3A_132 = vector.shape_cast %get3A_131 : vector<16xi32> to vector<16xi32>
      %shift_left3A_133 = vector.broadcast %scan3A_57 : i32 to vector<16xi32>
      %shift_left3A_134 = arith.shli %shift_left3A_133, %get3A_132 : vector<16xi32>
      %swap3A_135 = arith.index_cast %add3A_127 : i32 to index
      %swap3A_136 = tpu.vector_load %arg6[%swap3A_135] {strides = array<i32>} : memref<16384xi32, #tpu.memory_space<vmem>>, vector<16xi32>,
      %swap3A_137 = vector.shape_cast %swap3A_136 : vector<16xi32> to vector<16xi32>
      %swap3A_138 = vector.shape_cast %shift_left3A_134 : vector<16xi32> to vector<16xi32>
      tpu.vector_store %arg6[%swap3A_135], %swap3A_138 {strides = array<i32>} : memref<16384xi32, #tpu.memory_space<vmem>>, vector<16xi32>,
      %scan3A_139 = arith.constant 0 : i32
      scf.yield %scan3A_139 : i32
    }
    %scan3A_64 = arith.constant 256 : i32
    %dma_start3A_65 = arith.constant 1 : i32
    %dma_start3A_66 = arith.constant 0 : i32
    %dma_start3A_67 = tpu.memref_slice %arg3[%add3A, %dma_start3A_65, %dma_start3A_66] : memref<32x2x16384xi32, #tpu.memory_space<hbm>> -> memref<1x1x16384xi32, #tpu.memory_space<hbm>>
    %dma_start3A_68 = tpu.memref_squeeze %dma_start3A_67 : memref<1x1x16384xi32, #tpu.memory_space<hbm>> -> memref<16384xi32, #tpu.memory_space<hbm>>
    %dma_start3A_69 = arith.constant 0 : i32
    %dma_start3A_70 = tpu.memref_slice %arg3[%add3A, %dma_start3A_65, %dma_start3A_69] : memref<32x2x16384xi32, #tpu.memory_space<hbm>> -> memref<1x1x16384xi32, #tpu.memory_space<hbm>>
    %dma_start3A_71 = tpu.memref_squeeze %dma_start3A_70 : memref<1x1x16384xi32, #tpu.memory_space<hbm>> -> memref<16384xi32, #tpu.memory_space<hbm>>
    tpu.enqueue_dma source(%arg6 : memref<16384xi32, #tpu.memory_space<vmem>>) target(%dma_start3A_71 : memref<16384xi32, #tpu.memory_space<hbm>>) target_semaphore(%arg8 : memref<!tpu.dma_semaphore, #tpu.memory_space<semaphore_mem>>)
    %dma_wait3A_72 = arith.constant 0 : i32
    %dma_wait3A_73 = arith.constant 0 : i32
    %dma_wait3A_74 = tpu.memref_slice %arg3[%add3A, %dma_wait3A_72, %dma_wait3A_73] : memref<32x2x16384xi32, #tpu.memory_space<hbm>> -> memref<1x1x16384xi32, #tpu.memory_space<hbm>>
    %dma_wait3A_75 = tpu.memref_squeeze %dma_wait3A_74 : memref<1x1x16384xi32, #tpu.memory_space<hbm>> -> memref<16384xi32, #tpu.memory_space<hbm>>
    %dma_wait3A_76 = arith.constant 0 : i32
    %dma_wait3A_77 = tpu.memref_slice %arg3[%add3A, %dma_wait3A_72, %dma_wait3A_76] : memref<32x2x16384xi32, #tpu.memory_space<hbm>> -> memref<1x1x16384xi32, #tpu.memory_space<hbm>>
    %dma_wait3A_78 = tpu.memref_squeeze %dma_wait3A_77 : memref<1x1x16384xi32, #tpu.memory_space<hbm>> -> memref<16384xi32, #tpu.memory_space<hbm>>
    tpu.wait_dma2 semaphore(%arg7 : memref<!tpu.dma_semaphore, #tpu.memory_space<semaphore_mem>>) src(%arg5 : memref<16384xi32, #tpu.memory_space<vmem>>) dst(%dma_wait3A_78 : memref<16384xi32, #tpu.memory_space<hbm>>)
    %dma_wait3A_79 = arith.constant 1 : i32
    %dma_wait3A_80 = arith.constant 0 : i32
    %dma_wait3A_81 = tpu.memref_slice %arg3[%add3A, %dma_wait3A_79, %dma_wait3A_80] : memref<32x2x16384xi32, #tpu.memory_space<hbm>> -> memref<1x1x16384xi32, #tpu.memory_space<hbm>>
    %dma_wait3A_82 = tpu.memref_squeeze %dma_wait3A_81 : memref<1x1x16384xi32, #tpu.memory_space<hbm>> -> memref<16384xi32, #tpu.memory_space<hbm>>
    %dma_wait3A_83 = arith.constant 0 : i32
    %dma_wait3A_84 = tpu.memref_slice %arg3[%add3A, %dma_wait3A_79, %dma_wait3A_83] : memref<32x2x16384xi32, #tpu.memory_space<hbm>> -> memref<1x1x16384xi32, #tpu.memory_space<hbm>>
    %dma_wait3A_85 = tpu.memref_squeeze %dma_wait3A_84 : memref<1x1x16384xi32, #tpu.memory_space<hbm>> -> memref<16384xi32, #tpu.memory_space<hbm>>
    tpu.wait_dma2 semaphore(%arg8 : memref<!tpu.dma_semaphore, #tpu.memory_space<semaphore_mem>>) src(%arg6 : memref<16384xi32, #tpu.memory_space<vmem>>) dst(%dma_wait3A_85 : memref<16384xi32, #tpu.memory_space<hbm>>)
    return
  }
}

module attributes {stable_mosaic.version = 14 : i64} {
  func.func @_tc_expand(%arg0: i32, %arg1: i32, %arg2: memref<1x1x128x512xi32, #tpu.memory_space<vmem>>, %arg3: memref<1x32x128x512xf32, #tpu.memory_space<vmem>>) attributes {dimension_semantics = [#tpu.dimension_semantics<arbitrary>, #tpu.dimension_semantics<arbitrary>], iteration_bounds = array<i64: 4, 4>, scalar_prefetch = 0 : i64, scratch_operands = 0 : i64, tpu.core_type = #tpu.core_type<tc>, window_params = [{transform_indices = @transform_0, window_bounds = array<i64: 1, 1, 128, 512>}, {transform_indices = @transform_1, window_bounds = array<i64: 1, 32, 128, 512>}]} {
    %get3A = arith.constant 0 : index
    %get3A_0 = arith.constant 0 : index
    %get3A_1 = arith.constant 0 : index
    %get3A_2 = arith.constant 0 : index
    %get3A_3 = vector.load %arg2[%get3A, %get3A_0, %get3A_1, %get3A_2] : memref<1x1x128x512xi32, #tpu.memory_space<vmem>>, vector<1x1x128x512xi32>
    %iota3A = tpu.iota {dimensions = array<i32: 1>} : vector<1x32x128x512xi32>
    %shift_right_logical3A = vector.broadcast %get3A_3 : vector<1x1x128x512xi32> to vector<1x32x128x512xi32>
    %shift_right_logical3A_4 = arith.shrui %shift_right_logical3A, %iota3A : vector<1x32x128x512xi32>
    %and3A = arith.constant 1 : i32
    %and3A_5 = vector.broadcast %and3A : i32 to vector<1x32x128x512xi32>
    %and3A_6 = arith.andi %shift_right_logical3A_4, %and3A_5 : vector<1x32x128x512xi32>
    %convert_element_type3A = arith.sitofp %and3A_6 : vector<1x32x128x512xi32> to vector<1x32x128x512xf32>
    %swap3A = arith.constant 0 : index
    %swap3A_7 = arith.constant 0 : index
    %swap3A_8 = arith.constant 0 : index
    %swap3A_9 = arith.constant 0 : index
    %swap3A_10 = vector.load %arg3[%swap3A, %swap3A_7, %swap3A_8, %swap3A_9] : memref<1x32x128x512xf32, #tpu.memory_space<vmem>>, vector<1x32x128x512xf32>
    tpu.vector_store %arg3[%swap3A, %swap3A_7, %swap3A_8, %swap3A_9], %convert_element_type3A {strides = array<i32>} : memref<1x32x128x512xf32, #tpu.memory_space<vmem>>, vector<1x32x128x512xf32>,
    return
  }
  func.func @transform_0(%arg0: i32, %arg1: i32) -> (i32, i32, i32, i32) {
    %c0_i32 = arith.constant 0 : i32
    %c0_i32_0 = arith.constant 0 : i32
    %c0_i32_1 = arith.constant 0 : i32
    return %arg0, %c0_i32, %arg1, %c0_i32_0 : i32, i32, i32, i32
  }
  func.func @transform_1(%arg0: i32, %arg1: i32) -> (i32, i32, i32, i32) {
    %c0_i32 = arith.constant 0 : i32
    %c0_i32_0 = arith.constant 0 : i32
    %c0_i32_1 = arith.constant 0 : i32
    return %arg0, %c0_i32, %arg1, %c0_i32_0 : i32, i32, i32, i32
  }
}

</mosaic_0001>

<sc_bundles>
// kernel: kernel.4.cloned.1.call-start
scs
__scs_entry_jumppad:
0x0: {  	(pc) =	sbr.rel $0x88, $3  }
0x1: {  	(tag) =	ssettag $0x0;
	lr =	simm.s32 $0x1  }
0x2: {  	[smem:$0x3FA0] =	sst lr;
	_ =	strace $0xD0000000  }
0x3: {  	_ = 	snop  }
0x4: {  	_ = 	snop  }
0x5: {  	_ = 	snop  }
0x6: {  	_ = 	snop  }
0x7: {  	_ = 	snop  }
__scs_overlays_trampoline_lowered:
0x8: {  	[smem:$0x3FAF] =	sst s0  }
0x9: {  	[smem:$0x3FB0] =	sst s1  }
0xa: {  	[smem:$0x3FB1] =	sst s2  }
0xb: {  	[smem:$0x3FB2] =	sst s3  }
0xc: {  	[smem:$0x3FB3] =	sst s4  }
0xd: {  	[smem:$0x3FB4] =	sst s5  }
0xe: {  	[smem:$0x3FB5] =	sst s6  }
0xf: {  	[smem:$0x3FB6] =	sst s7  }
0x10: {  	[smem:$0x3FB7] =	sst s8  }
0x11: {  	[smem:$0x3FB8] =	sst s9;
	s0 =	simm.s32 @!p0 $0x0  }
0x12: {  	s1 =	sld [smem:$0x3F9E];
	s0 =	simm.s32 @p0 $0x1  }
0x13: {  	[smem:$0x3FB9] =	sst s0;
	s0 =	simm.s32 @!p1 $0x0  }
0x14: {  	s2 =	sld [smem:$0x3F9D];
	s0 =	simm.s32 @p1 $0x1  }
0x15: {  	[smem:$0x3FBA] =	sst s0;
	s0 =	simm.s32 @!p2 $0x0  }
0x16: {  	s3 =	sld [smem:$0x3FDB];
	s0 =	simm.s32 @p2 $0x1  }
0x17: {  	s4 =	simm.s32 $0x1BF5;
	[smem:$0x3FBC] =	sst s0  }
0x18: {  	s0 =	sld [smem:$0x3F9F];
	_ =	swait.ge [sflag:s4], $0x0  }
0x19: {  	s7 =	sld [smem:$0x3FA0]  }
0x1a: {  	s8 =	sadd.s32 $0xFFFFE003, lr  }
0x1b: {  	s9 =	sadd.s32 $0xFFFFFEF7, lr;
	s5 =	simm.s32 $0xFFFFFFFF;
	p2 =	slt.u32 s8, $0xFFFFF086  }
0x1c: {  	p1 =	slt.u32 s9, $0xF7A;
	s5 =	simm.s32 @!p2 $0x0  }
0x1d: {  	s5 =	simm.s32 @p1 $0x1;
	p0 =	seq.s32 s7, s2  }
0x1e: {  	s7 =	smul.u32 @!p0 $0xF7A, s2;
	p2 =	seq.s32 @!p0 s5, $0x0  }
0x1f: {  	s9 =	smul.u32 $0xF7A, s1;
	s8 =	simm.s32 @!p0 $0x1BF5;
	p2 =	por !p2, p0  }
0x20: {  	[sflag:s8] =	ssyncset.s32 @!p0 $0xFFFFF086;
	s6 =	sadd.s32 @!p0 s3, s7;
	s7 =	simm.s32 @!p0 $0x108  }
0x21: {  	s3 =	sadd.s32 s3, s9;
	s6 =	sadd.s32 @!p0 $0x88, s6;
	s7 =	simm.s32 @p2 $0x1082  }
0x22: {  	[simem:s7], [sflag:s8] =	dma.local @!p0 [hbm:s6], $0xF7A  }
0x23: {  	s9 =	sor.u32 $0xD0000000, s2;
	s6 =	simm.s32 $0x108;
	_ =	swait.ge @!p0 [sflag:s8], $0x0  }
0x24: {  	s3 =	sadd.s32 $0x88, s3;
	s6 =	simm.s32 @!p1 $0x1082;
	[sflag:s4] =	ssyncset.s32 $0xFFFFF086  }
0x25: {  	[simem:s6], [sflag:s4] =	dma.local [hbm:s3], $0xF7A  }
0x26: {  	[smem:$0x3FA0] =	sst s1;
	(tag) =	ssettag s2;
	_ =	strace s9  }
0x27: {  	s1 =	sld [smem:$0x3FB0]  }
0x28: {  	s2 =	sld [smem:$0x3FB1]  }
0x29: {  	s4 =	sld [smem:$0x3FB3]  }
0x2a: {  	p0 =	seq.s32 s5, $0x0;
	s5 =	sld [smem:$0x3FB4]  }
0x2b: {  	s6 =	sld [smem:$0x3FB5]  }
0x2c: {  	s7 =	sld [smem:$0x3FB6]  }
0x2d: {  	s3 =	simm.s32 $0x108;
	s8 =	sld [smem:$0x3FB7]  }
0x2e: {  	s3 =	simm.s32 @!p0 $0x1082;
	s9 =	sld [smem:$0x3FB8]  }
0x2f: {  	lr =	sadd.s32 s0, s3;
	s0 =	sld [smem:$0x3FAF]  }
0x30: {  	s3 =	sld [smem:$0x3FB2]  }
0x31: {  	[smem:$0x3FBB] =	sst s10  }
0x32: {  	s10 =	sld [smem:$0x3FB9];
	_ =	sdelay $0x3  }
0x33: {  	p0 =	seq.s32 s10, $0x1;
	s10 =	sld [smem:$0x3FBB];
	_ =	sdelay $0x3  }
0x34: {  	[smem:$0x3FBB] =	sst s10  }
0x35: {  	s10 =	sld [smem:$0x3FBA];
	_ =	sdelay $0x3  }
0x36: {  	p1 =	seq.s32 s10, $0x1;
	s10 =	sld [smem:$0x3FBB];
	_ =	sdelay $0x3  }
0x37: {  	[smem:$0x3FBB] =	sst s10  }
0x38: {  	s10 =	sld [smem:$0x3FBC]  }
0x39: {  	_ = 	snop;
	(pc) =	sbr.ind lr, $3  }
0x3a: {  	_ = 	snop  }
0x3b: {  	_ = 	snop  }
0x3c: {  	p2 =	seq.s32 s10, $0x1;
	s10 =	sld [smem:$0x3FBB]  }
0x3d: {  	_ =	shalt  }
0x3e: {  	_ =	shalt  }
0x3f: {  	_ =	shalt  }
0x40: {  	_ =	shalt  }
0x41: {  	_ =	shalt  }
0x42: {  	_ =	shalt  }
0x43: {  	_ =	shalt  }
0x44: {  	_ =	shalt  }
0x45: {  	_ =	shalt  }
0x46: {  	_ =	shalt  }
0x47: {  	_ =	shalt  }
0x48: {  	_ =	shalt  }
0x49: {  	_ =	shalt  }
0x4a: {  	_ =	shalt  }
0x4b: {  	_ =	shalt  }
0x4c: {  	_ =	shalt  }
0x4d: {  	_ =	shalt  }
0x4e: {  	_ =	shalt  }
0x4f: {  	_ =	shalt  }
0x50: {  	_ =	shalt  }
0x51: {  	_ =	shalt  }
0x52: {  	_ =	shalt  }
0x53: {  	_ =	shalt  }
0x54: {  	_ =	shalt  }
0x55: {  	_ =	shalt  }
0x56: {  	_ =	shalt  }
0x57: {  	_ =	shalt  }
0x58: {  	_ =	shalt  }
0x59: {  	_ =	shalt  }
0x5a: {  	_ =	shalt  }
0x5b: {  	_ =	shalt  }
0x5c: {  	_ =	shalt  }
0x5d: {  	_ =	shalt  }
0x5e: {  	_ =	shalt  }
0x5f: {  	_ =	shalt  }
0x60: {  	_ =	shalt  }
0x61: {  	_ =	shalt  }
0x62: {  	_ =	shalt  }
0x63: {  	_ =	shalt  }
0x64: {  	_ =	shalt  }
0x65: {  	_ =	shalt  }
0x66: {  	_ =	shalt  }
0x67: {  	_ =	shalt  }
0x68: {  	_ =	shalt  }
0x69: {  	_ =	shalt  }
0x6a: {  	_ =	shalt  }
0x6b: {  	_ =	shalt  }
0x6c: {  	_ =	shalt  }
0x6d: {  	_ =	shalt  }
0x6e: {  	_ =	shalt  }
0x6f: {  	_ =	shalt  }
0x70: {  	_ =	shalt  }
0x71: {  	_ =	shalt  }
0x72: {  	_ =	shalt  }
0x73: {  	_ =	shalt  }
0x74: {  	_ =	shalt  }
0x75: {  	_ =	shalt  }
0x76: {  	_ =	shalt  }
0x77: {  	_ =	shalt  }
0x78: {  	_ =	shalt  }
0x79: {  	_ =	shalt  }
0x7a: {  	_ =	shalt  }
0x7b: {  	_ =	shalt  }
0x7c: {  	_ =	shalt  }
0x7d: {  	_ =	shalt  }
0x7e: {  	_ =	shalt  }
0x7f: {  	_ =	shalt  }
0x80: {  	_ =	shalt  }
0x81: {  	_ =	shalt  }
0x82: {  	_ =	shalt  }
0x83: {  	_ =	shalt  }
0x84: {  	_ =	shalt  }
0x85: {  	_ =	shalt  }
0x86: {  	_ =	shalt  }
0x87: {  	_ =	shalt  }
.Lfunc_end0:
.L_simem_size_0:
called_computation_lowered:
.L_overlay_start_0:
0x88: {  	s2 =	sld [smem:$0x3FD9]  }
0x89: {  	s3 =	sld [smem:$0x3FFE];
	_ =	sdelay $0x1  }
0x8a: {  	s1 =	srdreg.scid  }
0x8b: {  	s0 =	sand.u32 $0x1, s1  }
0x8c: {  	s17 =	sshll.u32 s0, $0xA;
	s2 =	sadd.s32 s3, s2  }
0x8d: {  	s2 =	sadd.s32 s2, s17  }
0x8e: {  	[smem:$0x3FC7] =	sst s2  }
0x8f: {  	_ = 	snop  }
0x90: {  	s2 =	sld [smem:$0x3FD0];
	(tm) =	ssettm $0x1  }
0x91: {  	s18 =	sld [smem:$0x3FFB];
	_ =	sdelay $0x3  }
0x92: {  	_ =	strace s18  }
0x93: {  	s3 =	sld [smem:$0x3FFC];
	_ =	sdelay $0x3  }
0x94: {  	_ =	strace s3  }
0x95: {  	s3 =	sld [smem:$0x3FFD];
	_ =	sdelay $0x3  }
0x96: {  	_ =	strace s3  }
0x97: {  	_ =	strace $0x8FFFFFFF  }
0x98: {  	s19 =	sld [smem:$0x3FDB];
	_ =	sdelay $0x1  }
0x99: {  	s4 =	simm.s32 $_scs_section_size  }
0x9a: {  	s5 =	simm.s32 $_size__tile_overlayer_lowered;
	s6 =	simm.s32 $_tile_overlayer_lowered  }
0x9b: {  	s22 =	simm.s32 $0x1BFF;
	s21 =	sshll.u32 s6, $0x1;
	s3 =	sadd.s32 s4, s19  }
0x9c: {  	s7 =	simm.s32 $0x0;
	s20 =	sshll.u32 s5, $0x1;
	s5 =	sadd.s32 s21, s3  }
0x9d: {  	[timem:s7], [sflag:s22] =	dma.local [hbm:s5], s20  }
0x9e: {  	_ =	swait.ge [sflag:s22], s20  }
0x9f: {  	s4 =	ssub.s32 $0x0, s20;
	[sflag:s22] =	ssyncset.done $0x0  }
0xa0: {  	[sflag:s22] =	ssyncadd.s32 s4;
	_ =	sdelay $0x1  }
0xa1: {  	s23 =	simm.s32 $0x1B8B  }
0xa2: {  	_ =	swait.ge [sflag:s23], $0x1  }
0xa3: {  	[sflag:s23] =	ssyncset.done $0x0  }
0xa4: {  	s25 =	simm.s32 $0x1B8E;
	s24 =	sld [smem:$0x3FFE];
	[sflag:s23] =	ssyncadd.s32 $0xFFFFFFFF  }
0xa5: {  	s26 =	simm.s32 $execute0_lowered;
	[smem:$0x3FD2] =	sst s25  }
0xa6: {  	s5 =	sshll.u32 s26, $0x1;
	_ =	strace $0x80000046;
	[dreg:$0x1] =	wrdreg $0xFFFFFFFF  }
0xa7: {  	s28 =	simm.s32 $_size_execute0_lowered;
	s3 =	sadd.s32 s3, s5;
	[dreg:$0x0] =	wrdreg $0x0  }
0xa8: {  	s5 =	sshll.u32 s28, $0x1;
	[dreg:$0x2] =	wrdreg s3  }
0xa9: {  	[dreg:$0x3] =	wrdreg s5  }
0xaa: {  	[dreg:$0x4] =	wrdreg $0xC0  }
0xab: {  	_ =	task [dreg:s7], $0x5FFFF  }
0xac: {  	[dreg:$0x1] =	wrdreg $0xFFFFFFFF  }
0xad: {  	[dreg:$0x0] =	wrdreg $0x60  }
0xae: {  	[dreg:$0x2] =	wrdreg s2  }
0xaf: {  	[dreg:$0x3] =	wrdreg s24  }
0xb0: {  	[dreg:$0x4] =	wrdreg $0x9  }
0xb1: {  	_ =	task.clear_ibuf [dreg:s7], $0x5FFFF;
	_ =	strace $0x90000046  }
0xb2: {  	s29 =	simm.s32 $0x9;
	_ =	strace $0x80000048  }
0xb3: {  	_ =	swait.ge [sflag:s29], $0x1  }
0xb4: {  	[sflag:s29] =	ssyncadd.s32 $0xFFFFFFFF  }
0xb5: {  	_ =	strace $0x90000048  }
0xb6: {  	_ =	sfence  }
0xb7: {  	s30 =	sld [smem:$0x0];
	_ =	sdelay $0x2  }
0xb8: {  	s31 =	sshll.u32 s1, $0xD;
	s1 =	sshrl.u32 s1, $0x2  }
0xb9: {  	s3 =	sand.u32 $0x4000, s31;
	s1 =	sadd.s32 s1, s30  }
0xba: {  	s0 =	sor.u32 s3, s0;
	s1 =	sshll.u32 s1, $0x11  }
0xbb: {  	s0 =	sor.u32 s1, s0  }
0xbc: {  	s0 =	sadd.s32 $0x8F2B, s0  }
0xbd: {  	[sflag:s0] =	ssyncadd.remote.s32 $0x1  }
0xbe: {  	_ =	sfence.sel $0xFFFF  }
0xbf: {  	[dreg:$0x0] =	wrdreg $0xFFFFFFFF;
	(pc) =	sbr.abs _section_cstart, $3  }
0xc0: {  	[dreg:$0x1] =	wrdreg $0xFFFFFFFF  }
0xc1: {  	_ =	task.clear_ibuf [dreg:s7], $0x2FFFF;
	_ =	strace $0x9FFFFFFF  }
0xc2: {  	(tm) =	ssettm $0x7FFFFFFF  }
0xc3: {  	_ =	shalt  }
tec
execute0_lowered:
.L_overlay_start_1:
0x0: {  	(tag) =	ssettag $0x1  }
0x1: {  	s4 =	rddreg [dreg:$0x0]  }
0x2: {  	s3 =	rddreg [dreg:$0x1]  }
0x3: {  	s0 =	rddreg [dreg:$0x2];
	s2 =	simm.s32 $0x0;
	s5 =	srdreg.scid  }
0x4: {  	s1 =	stileid.u32;
	s9 =	simm.s32 $0x100;
	s10 =	simm.s32 $0x4000  }
0x5: {  	s11 =	simm.s32 $0x3;
	s12 =	simm.s32 $0x8000;
	s13 =	simm.s32 $0x4  }
0x6: {  	s14 =	simm.s32 $0xC000;
	s15 =	simm.s32 $0x1;
	s16 =	simm.s32 $0x2  }
0x7: {  	s17 =	simm.s32 $0x0;
	[smem:$0x7FF] =	sst s2;
	s5 =	sand.u32 $0x1, s5  }
0x8: {  	s7 =	sshll.u32 s1, $0xD;
	s6 =	ssub.s32 $0x2, s5;
	s5 =	sshll.u32 s5, $0xC  }
0x9: {  	s30 =	sadd.s32 $0x400, s3;
	s8 =	sshrl.u32 s6, $0x1;
	s5 =	sor.u32 s5, s7  }
0xa: {  	_ =	strace $0x80000047;
	s8 =	ssub.s32 s6, s8;
	s31 =	sor.u32 $0x10, s5  }
0xb: {  	s3 =	sadd.s32 s4, s5;
	s5 =	sadd.s32 s30, s5;
	s4 =	sadd.s32 s4, s31  }
0xc: {  	v0 =	vimm.s32 $0x1;
	s6 =	sadd.s32 s30, s31;
	s7 =	smax.u32 s8, $0x1;
	s8 =	simm.s32 $0x80  }
.LBB2_1:
0xd: {  	[tilespmem:s2], [sflag:$0x3] =	stream.strided.gather [hbm4b:s3+s8], $0x4000, s9, s8, $0x38;
	[tilespmem:$0x10000] =	vst v63  }
0xe: {  	_ = 	snop  }
0xf: {  	[tilespmem:s10], [sflag:$0x4] =	stream.strided.gather [hbm4b:s4+s8], $0x4000, s9, s8, $0x38;
	[tilespmem:$0x10000] =	vst v63  }
0x10: {  	_ =	swait.ge [sflag:s11], $0x4000  }
0x11: {  	[sflag:s11] =	ssyncset.done $0x0  }
0x12: {  	s18 =	simm.s32 $0x0;
	[sflag:s11] =	ssyncadd.s32 $0xFFFFC000  }
0x13: {  	v3 =	vld [tilespmem:s18+$0x30]  }
0x14: {  	v4 =	vld [tilespmem:s18+$0x0]  }
0x15: {  	v1 =	vld [tilespmem:s18+$0x10]  }
0x16: {  	s19 =	simm.s32 $0x100;
	v2 =	vld [tilespmem:s18+$0x20]  }
.LBB2_2:
0x17: {  	p0 =	sne.s32 s19, $0xFF00  }
.Ltmp0:
0x18: {  	s20 =	sshra.s32 s19, $0x2;
	s19 =	sadd.s32 $0x100, s19;
	v5 =	vshll.u32 v0, v3;
	(pc) =	sbr.rel @p0 .LBB2_2-.Ltmp0, $4  }
0x19: {  	v3 =	vld [tilespmem:s20+$0x30];
	v6 =	vshll.u32 v0, v4;
	[tilespmem:s18+$0x8030] =	vst v5  }
0x1a: {  	v4 =	vld [tilespmem:s20+$0x0];
	[tilespmem:s18+$0x8000] =	vst v6;
	v5 =	vshll.u32 v0, v1  }
0x1b: {  	v1 =	vld [tilespmem:s20+$0x10];
	[tilespmem:s18+$0x8010] =	vst v5;
	v5 =	vshll.u32 v0, v2  }
0x1c: {  	v2 =	vld [tilespmem:s20+$0x20];
	[tilespmem:s18+$0x8020] =	vst v5;
	s18 =	smov.u32 s20  }
0x1d: {  	_ = 	snop  }
0x1e: {  	v3 =	vshll.u32 v0, v3  }
0x1f: {  	v4 =	vshll.u32 v0, v4;
	[tilespmem:s18+$0x8030] =	vst v3  }
0x20: {  	[tilespmem:s18+$0x8000] =	vst v4;
	v1 =	vshll.u32 v0, v1  }
0x21: {  	[tilespmem:s18+$0x8010] =	vst v1;
	v1 =	vshll.u32 v0, v2  }
0x22: {  	[tilespmem:s18+$0x8020] =	vst v1  }
0x23: {  	[hbm4b:s5+s8] =	stream.strided.scatter [tilespmem:s12], [sflag:$0x1], $0x4000, s9, s8, $0x38;
	[tilespmem:$0x10000] =	vst v63  }
0x24: {  	_ =	swait.ge [sflag:s13], $0x4000  }
0x25: {  	s31 =	simm.s32 $0x0;
	[sflag:s13] =	ssyncset.done $0x0  }
0x26: {  	s18 =	sand.u32 $0x3FC0, s31;
	[sflag:s13] =	ssyncadd.s32 $0xFFFFC000  }
0x27: {  	v1 =	vld [tilespmem:s18+$0x4000];
	_ =	sdelay $0x4  }
0x28: {  	s18 =	simm.s32 $0xC020;
	v1 =	vshll.u32 v0, v1  }
0x29: {  	s19 =	simm.s32 $0x4030;
	[tilespmem:s18+$0xFFFFFFE0] =	vst v1  }
0x2a: {  	v1 =	vld [tilespmem:s19+$0xFFFFFFE0];
	_ =	sdelay $0x4  }
0x2b: {  	v1 =	vshll.u32 v0, v1  }
0x2c: {  	[tilespmem:s18+$0xFFFFFFF0] =	vst v1  }
0x2d: {  	v1 =	vld [tilespmem:s19+$0xFFFFFFF0];
	_ =	sdelay $0x4  }
0x2e: {  	v1 =	vshll.u32 v0, v1  }
0x2f: {  	[tilespmem:s18+$0x0] =	vst v1  }
0x30: {  	v1 =	vld [tilespmem:s19+$0x0];
	_ =	sdelay $0x4  }
0x31: {  	s20 =	simm.s32 $0x40;
	v1 =	vshll.u32 v0, v1  }
0x32: {  	s21 =	sand.u32 $0x3FC0, s20;
	s20 =	simm.s32 $0x80;
	[tilespmem:s18+$0x10] =	vst v1  }
.LBB2_4:
0x33: {  	p0 =	sne.s32 s20, $0x3FC0;
	v1 =	vld [tilespmem:s21+$0x4000];
	_ =	sdelay $0x4  }
0x34: {  	s18 =	sadd.s32 $0x40, s18;
	v1 =	vshll.u32 v0, v1  }
0x35: {  	s19 =	sadd.s32 $0x40, s19;
	[tilespmem:s18+$0xFFFFFFE0] =	vst v1  }
0x36: {  	v1 =	vld [tilespmem:s19+$0xFFFFFFE0];
	_ =	sdelay $0x4  }
0x37: {  	v1 =	vshll.u32 v0, v1  }
0x38: {  	[tilespmem:s18+$0xFFFFFFF0] =	vst v1  }
0x39: {  	v1 =	vld [tilespmem:s19+$0xFFFFFFF0];
	_ =	sdelay $0x4  }
0x3a: {  	v1 =	vshll.u32 v0, v1  }
0x3b: {  	[tilespmem:s18+$0x0] =	vst v1  }
0x3c: {  	v1 =	vld [tilespmem:s19+$0x0];
	_ =	sdelay $0x1  }
.Ltmp1:
0x3d: {  	(pc) =	sbr.rel @p0 .LBB2_4-.Ltmp1, $3  }
0x3e: {  	_ =	sdelay $0x1  }
0x3f: {  	v1 =	vshll.u32 v0, v1  }
0x40: {  	s21 =	sand.u32 $0x3FC0, s20;
	s20 =	sadd.s32 $0x40, s20;
	[tilespmem:s18+$0x10] =	vst v1  }
0x41: {  	v1 =	vld [tilespmem:s21+$0x4000];
	_ =	sdelay $0x4  }
0x42: {  	s18 =	sadd.s32 $0x40, s18;
	v1 =	vshll.u32 v0, v1  }
0x43: {  	s19 =	sadd.s32 $0x40, s19;
	[tilespmem:s18+$0xFFFFFFE0] =	vst v1  }
0x44: {  	v1 =	vld [tilespmem:s19+$0xFFFFFFE0];
	_ =	sdelay $0x4  }
0x45: {  	v1 =	vshll.u32 v0, v1  }
0x46: {  	[tilespmem:s18+$0xFFFFFFF0] =	vst v1  }
0x47: {  	v1 =	vld [tilespmem:s19+$0xFFFFFFF0];
	_ =	sdelay $0x4  }
0x48: {  	v1 =	vshll.u32 v0, v1  }
0x49: {  	[tilespmem:s18+$0x0] =	vst v1  }
0x4a: {  	v1 =	vld [tilespmem:s19+$0x0];
	_ =	sdelay $0x4  }
0x4b: {  	v1 =	vshll.u32 v0, v1  }
0x4c: {  	s17 =	sadd.s32 $0x1, s17;
	[tilespmem:s18+$0x10] =	vst v1  }
0x4d: {  	[hbm4b:s6+s8] =	stream.strided.scatter [tilespmem:s14], [sflag:$0x2], $0x4000, s9, s8, $0x38;
	[tilespmem:$0x10000] =	vst v63  }
0x4e: {  	p0 =	sne.s32 s17, s7;
	_ =	swait.ge [sflag:s15], $0x4000  }
.Ltmp2:
0x4f: {  	[sflag:s15] =	ssyncset.done $0x0;
	(pc) =	sbr.rel @p0 .LBB2_1-.Ltmp2, $4  }
0x50: {  	[sflag:s15] =	ssyncadd.s32 $0xFFFFC000  }
0x51: {  	_ =	swait.ge [sflag:s16], $0x4000  }
0x52: {  	[sflag:s16] =	ssyncset.done $0x0  }
0x53: {  	[sflag:s16] =	ssyncadd.s32 $0xFFFFC000  }
0x54: {  	_ =	sfence.sel $0x180000  }
0x55: {  	[bflag:$0x0] =	sbarrier.arrive $0xFFFF  }
0x56: {  	p0 =	sne.s32 s1, $0x0;
	_ =	strace $0x90000047  }
0x57: {  	s0 =	sadd.s32 @!p0 $0x100000, s0;
	[bflag:$0x2] =	sbarrier.arrive $0xFFFF  }
0x58: {  	[sflag:s0] =	ssyncadd.tile.s32 @!p0 $0x1;
	_ =	shalt  }
.Lfunc_end2:
_tile_overlayer_lowered:
.L_overlay_start_2:
0x59: {  	(tag) =	ssettag $0x2  }
0x5a: {  	s0 =	rddreg [dreg:$0x0];
	s2 =	stileid.u32  }
0x5b: {  	s1 =	rddreg [dreg:$0x1];
	p0 =	sne.s32 s2, $0x0  }
0x5c: {  	s3 =	rddreg [dreg:$0x2];
	[bflag:$0x3] =	sbarrier.arrive $0xFFFF;
	s2 =	simm.s32 @!p0 $0x1C05  }
0x5d: {  	[timem:s3], [sflag:s2] =	dma.local @!p0 [hbm:s0], s1  }
0x5e: {  	s0 =	simm.s32 @!p0 $0x5  }
0x5f: {  	_ =	swait.ge @!p0 [sflag:s0], s1  }
0x60: {  	s1 =	ssub.s32 @!p0 $0x0, s1;
	[sflag:s0] =	ssyncset.done @!p0 $0x0  }
0x61: {  	[sflag:s0] =	ssyncadd.s32 @!p0 s1  }
0x62: {  	[bflag:$0x3] =	sbarrier.arrive $0xFFFF  }
0x63: {  	_ =	shalt  }

</sc_bundles>
